<compile_context>
chip_gen: v7x
topology: tpu7x:2x2x1
jax: 0.10.2.dev20260603
libtpu: 0.0.44.dev20260713+nightly
codegen_flags: <defaults>
</compile_context>

<pallas_src>
import functools

import jax
import jax.numpy as jnp
from jax import lax
from jax.experimental import pallas as pl
from jax.experimental.pallas import tpu as pltpu
from jax.experimental.pallas import tpu_sc as plsc

BATCH = 16384
F = 26
V = 100000
D = 16

NC, NS, L = 2, 16, 16
NW = NC * NS
NP = F * D
PPW = NP // NW
OC = 4096
NOC = BATCH // OC

_mesh = plsc.VectorSubcoreMesh(
    core_axis_name="c", subcore_axis_name="s", num_cores=NC, num_subcores=NS
)


@functools.partial(
    pl.kernel,
    out_type=jax.ShapeDtypeStruct((NP, BATCH), jnp.float32),
    mesh=_mesh,
    scratch_types=[
        pltpu.VMEM((V,), jnp.float32),
        pltpu.VMEM((BATCH,), jnp.int32),
        pltpu.VMEM((2, OC), jnp.float32),
        pltpu.SemaphoreType.DMA,
        pltpu.SemaphoreType.DMA((2,)),
    ],
    compiler_params=pltpu.CompilerParams(
        use_tc_tiling_on_sc=True, needs_layout_passes=False
    ),
)
def _emb(xt_hbm, tw_hbm, out_hbm, tab_v, idx_v, out_v, lsem, osem):
    wid = lax.axis_index("s") * NC + lax.axis_index("c")

    def pair(k, fprev):
        p = wid * PPW + k
        f = lax.div(p, D)
        d = lax.rem(p, D)
        tcp = pltpu.make_async_copy(tw_hbm.at[f, d], tab_v, lsem)
        icp = pltpu.make_async_copy(xt_hbm.at[f], idx_v, lsem)
        newf = f != fprev

        @pl.when(newf)
        def _():
            icp.start()

        tcp.start()
        tcp.wait()

        @pl.when(newf)
        def _():
            icp.wait()

        for oc in range(NOC):
            b = oc % 2
            ocp = pltpu.make_async_copy(
                out_v.at[b], out_hbm.at[p, pl.ds(oc * OC, OC)], osem.at[b]
            )

            if oc >= 2:
                ocp.wait()
            else:

                @pl.when(k > 0)
                def _():
                    ocp.wait()

            @plsc.parallel_loop(0, OC, L, unroll=8)
            def gather(j):
                o = pl.ds(j, L)
                out_v[b, o] = plsc.load_gather(
                    tab_v, [idx_v[pl.ds(oc * OC + j, L)]]
                )
            ocp.start()
        return f

    lax.fori_loop(0, PPW, pair, jnp.int32(-1))

    for b in range(2):
        pltpu.make_async_copy(
            out_v.at[b], out_hbm.at[0, pl.ds(b * OC, OC)], osem.at[b]
        ).wait()


def kernel(x, tables):
    xt = x.T.astype(jnp.int32)
    tw = jnp.transpose(tables, (0, 2, 1))
    out_t = _emb(xt, tw)
    return out_t.T

# --- scband reference (transcript-rebuilt; emitter-appended) ---
"""Pipeline reference for scband-embedding-layer-163208757908 (READ-ONLY COPY).

The authoritative reference and input builder live on the scoring server;
editing this copy changes nothing except your own understanding.
"""

import jax, jax.numpy as jnp
import numpy as np

BATCH = 16384
NUM_FIELDS = 26
VOCAB = 100000
EMBED_DIM = 16


def setup_inputs(seed: int = 0) -> dict:
    key = jax.random.key(seed)
    kx, kt = jax.random.split(key)
    x = jax.random.randint(kx, (BATCH, NUM_FIELDS), 0, VOCAB)
    # One embedding table per sparse field (embeddings_dict in the original module),
    # stacked into a single [F, vocab, embed_dim] parameter array.
    tables = jax.random.normal(kt, (NUM_FIELDS, VOCAB, EMBED_DIM), dtype=jnp.float32) * 0.01
    return {"x": x, "tables": tables}


def reference(x, tables):
    # Faithful translation: per-field embedding lookup on x[:, i].unsqueeze(1),
    # concat over fields (dim=1), then flatten to [batch, F*embed_dim].
    batch_size = x.shape[0]
    num_fields = tables.shape[0]
    embedded_features = []
    for i in range(num_fields):
        col_idx = x[:, i][:, None]                      # [B, 1], like unsqueeze(1)
        emb = jnp.take(tables[i], col_idx, axis=0)      # [B, 1, D]
        embedded_features.append(emb)
    embedded_input_tensor = jnp.concatenate(embedded_features, axis=1)  # [B, F, D]
    return embedded_input_tensor.reshape(batch_size, -1)               # [B, F*D]

if __name__ == "__main__":
    import jax
    _d = setup_inputs()
    print(jax.jit(kernel)(*tuple(_d.values())))

</pallas_src>

<mosaic_0001>
#map = affine_map<(d0, d1) -> (0, 0)>
#map1 = affine_map<(d0, d1) -> (0, 0, 0)>
module attributes {stable_mosaic.version = 14 : i64} {
  func.func @_emb(%arg0: i32, %arg1: i32, %arg2: memref<26x16384xi32, #tpu.memory_space<hbm>>, %arg3: memref<26x16x100000xf32, #tpu.memory_space<hbm>>, %arg4: memref<416x16384xf32, #tpu.memory_space<hbm>>, %arg5: memref<100000xf32, #tpu.memory_space<vmem>>, %arg6: memref<16384xi32, #tpu.memory_space<vmem>>, %arg7: memref<2x4096xf32, #tpu.memory_space<vmem>>, %arg8: memref<!tpu.dma_semaphore, #tpu.memory_space<semaphore_mem>>, %arg9: memref<2x!tpu.dma_semaphore, #tpu.memory_space<semaphore_mem>>) attributes {dimension_semantics = [#tpu.dimension_semantics<core_parallel>, #tpu.dimension_semantics<subcore_parallel>], iteration_bounds = array<i64: 2, 16>, scalar_prefetch = 0 : i64, scratch_operands = 5 : i64, tpu.core_type = #tpu.core_type<sc_vector_subcore>, window_params = [{transform_indices = #map}, {transform_indices = #map1}, {transform_indices = #map}]} {
    %mul3A = arith.constant 2 : i32
    %mul3A_0 = arith.muli %arg1, %mul3A : i32
    %add3A = arith.addi %mul3A_0, %arg0 : i32
    %scan3A = arith.constant -1 : i32
    %scan3A_1 = arith.constant 0 : i32
    %scan3A_2 = arith.constant 13 : i32
    %scan3A_3 = arith.addi %scan3A_1, %scan3A_2 : i32
    %scan3A_4 = arith.constant 1 : i32
    %scan3A_5 = scf.for %scan3A_40 = %scan3A_1 to %scan3A_3 step %scan3A_4 iter_args(%scan3A_41 = %scan3A) -> (i32)  : i32 {
      %mul3A_42 = arith.constant 13 : i32
      %mul3A_43 = arith.muli %add3A, %mul3A_42 : i32
      %add3A_44 = arith.addi %mul3A_43, %scan3A_40 : i32
      %div3A = arith.constant 16 : i32
      %div3A_45 = arith.divsi %add3A_44, %div3A : i32
      %rem3A = arith.constant 16 : i32
      %rem3A_46 = arith.remsi %add3A_44, %rem3A : i32
      %ne3A = arith.cmpi ne, %div3A_45, %scan3A_41 : i32
      %convert_element_type3A = arith.extui %ne3A : i1 to i32
      %cond3A = arith.constant 0 : i32
      %cond3A_47 = arith.cmpi ne, %convert_element_type3A, %cond3A : i32
      scf.if %cond3A_47 {
        %dma_start3A_182 = arith.constant 0 : i32
        %dma_start3A_183 = tpu.memref_slice %arg2[%div3A_45, %dma_start3A_182] : memref<26x16384xi32, #tpu.memory_space<hbm>> -> memref<1x16384xi32, #tpu.memory_space<hbm>>
        %dma_start3A_184 = tpu.memref_squeeze %dma_start3A_183 : memref<1x16384xi32, #tpu.memory_space<hbm>> -> memref<16384xi32, #tpu.memory_space<hbm>>
        %dma_start3A_185 = arith.constant 0 : i32
        %dma_start3A_186 = tpu.memref_slice %arg2[%div3A_45, %dma_start3A_185] : memref<26x16384xi32, #tpu.memory_space<hbm>> -> memref<1x16384xi32, #tpu.memory_space<hbm>>
        %dma_start3A_187 = tpu.memref_squeeze %dma_start3A_186 : memref<1x16384xi32, #tpu.memory_space<hbm>> -> memref<16384xi32, #tpu.memory_space<hbm>>
        tpu.enqueue_dma source(%dma_start3A_187 : memref<16384xi32, #tpu.memory_space<hbm>>) target(%arg6 : memref<16384xi32, #tpu.memory_space<vmem>>) target_semaphore(%arg8 : memref<!tpu.dma_semaphore, #tpu.memory_space<semaphore_mem>>)
      } else {
      }
      %dma_start3A = arith.constant 0 : i32
      %dma_start3A_48 = tpu.memref_slice %arg3[%div3A_45, %rem3A_46, %dma_start3A] : memref<26x16x100000xf32, #tpu.memory_space<hbm>> -> memref<1x1x100000xf32, #tpu.memory_space<hbm>>
      %dma_start3A_49 = tpu.memref_squeeze %dma_start3A_48 : memref<1x1x100000xf32, #tpu.memory_space<hbm>> -> memref<100000xf32, #tpu.memory_space<hbm>>
      %dma_start3A_50 = arith.constant 0 : i32
      %dma_start3A_51 = tpu.memref_slice %arg3[%div3A_45, %rem3A_46, %dma_start3A_50] : memref<26x16x100000xf32, #tpu.memory_space<hbm>> -> memref<1x1x100000xf32, #tpu.memory_space<hbm>>
      %dma_start3A_52 = tpu.memref_squeeze %dma_start3A_51 : memref<1x1x100000xf32, #tpu.memory_space<hbm>> -> memref<100000xf32, #tpu.memory_space<hbm>>
      tpu.enqueue_dma source(%dma_start3A_52 : memref<100000xf32, #tpu.memory_space<hbm>>) target(%arg5 : memref<100000xf32, #tpu.memory_space<vmem>>) target_semaphore(%arg8 : memref<!tpu.dma_semaphore, #tpu.memory_space<semaphore_mem>>)
      %dma_wait3A_53 = arith.constant 0 : i32
      %dma_wait3A_54 = tpu.memref_slice %arg3[%div3A_45, %rem3A_46, %dma_wait3A_53] : memref<26x16x100000xf32, #tpu.memory_space<hbm>> -> memref<1x1x100000xf32, #tpu.memory_space<hbm>>
      %dma_wait3A_55 = tpu.memref_squeeze %dma_wait3A_54 : memref<1x1x100000xf32, #tpu.memory_space<hbm>> -> memref<100000xf32, #tpu.memory_space<hbm>>
      %dma_wait3A_56 = arith.constant 0 : i32
      %dma_wait3A_57 = tpu.memref_slice %arg3[%div3A_45, %rem3A_46, %dma_wait3A_56] : memref<26x16x100000xf32, #tpu.memory_space<hbm>> -> memref<1x1x100000xf32, #tpu.memory_space<hbm>>
      %dma_wait3A_58 = tpu.memref_squeeze %dma_wait3A_57 : memref<1x1x100000xf32, #tpu.memory_space<hbm>> -> memref<100000xf32, #tpu.memory_space<hbm>>
      tpu.wait_dma2 semaphore(%arg8 : memref<!tpu.dma_semaphore, #tpu.memory_space<semaphore_mem>>) src(%dma_wait3A_58 : memref<100000xf32, #tpu.memory_space<hbm>>) dst(%arg5 : memref<100000xf32, #tpu.memory_space<vmem>>)
      %convert_element_type3A_59 = arith.extui %ne3A : i1 to i32
      %cond3A_60 = arith.constant 0 : i32
      %cond3A_61 = arith.cmpi ne, %convert_element_type3A_59, %cond3A_60 : i32
      scf.if %cond3A_61 {
        %dma_wait3A_182 = arith.constant 0 : i32
        %dma_wait3A_183 = tpu.memref_slice %arg2[%div3A_45, %dma_wait3A_182] : memref<26x16384xi32, #tpu.memory_space<hbm>> -> memref<1x16384xi32, #tpu.memory_space<hbm>>
        %dma_wait3A_184 = tpu.memref_squeeze %dma_wait3A_183 : memref<1x16384xi32, #tpu.memory_space<hbm>> -> memref<16384xi32, #tpu.memory_space<hbm>>
        %dma_wait3A_185 = arith.constant 0 : i32
        %dma_wait3A_186 = tpu.memref_slice %arg2[%div3A_45, %dma_wait3A_185] : memref<26x16384xi32, #tpu.memory_space<hbm>> -> memref<1x16384xi32, #tpu.memory_space<hbm>>
        %dma_wait3A_187 = tpu.memref_squeeze %dma_wait3A_186 : memref<1x16384xi32, #tpu.memory_space<hbm>> -> memref<16384xi32, #tpu.memory_space<hbm>>
        tpu.wait_dma2 semaphore(%arg8 : memref<!tpu.dma_semaphore, #tpu.memory_space<semaphore_mem>>) src(%dma_wait3A_187 : memref<16384xi32, #tpu.memory_space<hbm>>) dst(%arg6 : memref<16384xi32, #tpu.memory_space<vmem>>)
      } else {
      }
      %gt3A = arith.constant 0 : i32
      %gt3A_62 = arith.cmpi sgt, %scan3A_40, %gt3A : i32
      %convert_element_type3A_63 = arith.extui %gt3A_62 : i1 to i32
      %cond3A_64 = arith.constant 0 : i32
      %cond3A_65 = arith.constant 0 : i32
      %cond3A_66 = arith.constant 0 : i32
      %cond3A_67 = arith.cmpi ne, %convert_element_type3A_63, %cond3A_66 : i32
      scf.if %cond3A_67 {
        %dma_wait3A_182 = arith.constant 0 : i32
        %dma_wait3A_183 = tpu.memref_slice %arg7[%cond3A_64, %dma_wait3A_182] : memref<2x4096xf32, #tpu.memory_space<vmem>> -> memref<1x4096xf32, #tpu.memory_space<vmem>>
        %dma_wait3A_184 = tpu.memref_squeeze %dma_wait3A_183 : memref<1x4096xf32, #tpu.memory_space<vmem>> -> memref<4096xf32, #tpu.memory_space<vmem>>
        %dma_wait3A_185 = arith.constant 0 : i32
        %dma_wait3A_186 = tpu.memref_slice %arg4[%add3A_44, %dma_wait3A_185] : memref<416x16384xf32, #tpu.memory_space<hbm>> -> memref<1x4096xf32, #tpu.memory_space<hbm>>
        %dma_wait3A_187 = tpu.memref_squeeze %dma_wait3A_186 : memref<1x4096xf32, #tpu.memory_space<hbm>> -> memref<4096xf32, #tpu.memory_space<hbm>>
        %dma_wait3A_188 = tpu.memref_slice %arg9[%cond3A_65] : memref<2x!tpu.dma_semaphore, #tpu.memory_space<semaphore_mem>> -> memref<1x!tpu.dma_semaphore, #tpu.memory_space<semaphore_mem>>
        %dma_wait3A_189 = tpu.memref_squeeze %dma_wait3A_188 : memref<1x!tpu.dma_semaphore, #tpu.memory_space<semaphore_mem>> -> memref<!tpu.dma_semaphore, #tpu.memory_space<semaphore_mem>>
        %dma_wait3A_190 = arith.constant 0 : i32
        %dma_wait3A_191 = tpu.memref_slice %arg4[%add3A_44, %dma_wait3A_190] : memref<416x16384xf32, #tpu.memory_space<hbm>> -> memref<1x4096xf32, #tpu.memory_space<hbm>>
        %dma_wait3A_192 = tpu.memref_squeeze %dma_wait3A_191 : memref<1x4096xf32, #tpu.memory_space<hbm>> -> memref<4096xf32, #tpu.memory_space<hbm>>
        %dma_wait3A_193 = arith.constant 0 : i32
        %dma_wait3A_194 = tpu.memref_slice %arg7[%cond3A_64, %dma_wait3A_193] : memref<2x4096xf32, #tpu.memory_space<vmem>> -> memref<1x4096xf32, #tpu.memory_space<vmem>>
        %dma_wait3A_195 = tpu.memref_squeeze %dma_wait3A_194 : memref<1x4096xf32, #tpu.memory_space<vmem>> -> memref<4096xf32, #tpu.memory_space<vmem>>
        tpu.wait_dma2 semaphore(%dma_wait3A_189 : memref<!tpu.dma_semaphore, #tpu.memory_space<semaphore_mem>>) src(%dma_wait3A_195 : memref<4096xf32, #tpu.memory_space<vmem>>) dst(%dma_wait3A_192 : memref<4096xf32, #tpu.memory_space<hbm>>)
      } else {
      }
      %parallel_loop3A = arith.constant 0 : i32
      %parallel_loop3A_68 = arith.constant 4096 : i32
      %parallel_loop3A_69 = arith.constant 16 : i32
      scf.for %parallel_loop3A_182 = %parallel_loop3A to %parallel_loop3A_68 step %parallel_loop3A_69  : i32 {
        %parallel_loop3A_183 = arith.constant 0 : i32
        %parallel_loop3A_184 = arith.addi %parallel_loop3A_183, %parallel_loop3A_182 : i32
        %parallel_loop3A_185 = arith.index_cast %parallel_loop3A_184 : i32 to index
        %parallel_loop3A_186 = tpu.vector_load %arg6[%parallel_loop3A_185] {strides = array<i32>} : memref<16384xi32, #tpu.memory_space<vmem>>, vector<16xi32>,
        %parallel_loop3A_187 = tpu.vector_load_idx %arg5[%parallel_loop3A_186] : memref<100000xf32, #tpu.memory_space<vmem>>[vector<16xi32>], vector<16xf32>,
        %parallel_loop3A_188 = arith.constant 0 : i32
        %parallel_loop3A_189 = arith.index_cast %parallel_loop3A_188 : i32 to index
        %parallel_loop3A_190 = arith.index_cast %parallel_loop3A_182 : i32 to index
        %parallel_loop3A_191 = tpu.vector_load %arg7[%parallel_loop3A_189, %parallel_loop3A_190] {strides = array<i32>} : memref<2x4096xf32, #tpu.memory_space<vmem>>, vector<16xf32>,
        tpu.vector_store %arg7[%parallel_loop3A_189, %parallel_loop3A_190], %parallel_loop3A_187 {strides = array<i32>} : memref<2x4096xf32, #tpu.memory_space<vmem>>, vector<16xf32>,
      } {sc.loop_unroll_factor = 8 : i64, sc.parallel_access}
      %dma_start3A_70 = arith.constant 0 : i32
      %dma_start3A_71 = arith.constant 0 : i32
      %dma_start3A_72 = arith.constant 0 : i32
      %dma_start3A_73 = tpu.memref_slice %arg7[%dma_start3A_70, %dma_start3A_72] : memref<2x4096xf32, #tpu.memory_space<vmem>> -> memref<1x4096xf32, #tpu.memory_space<vmem>>
      %dma_start3A_74 = tpu.memref_squeeze %dma_start3A_73 : memref<1x4096xf32, #tpu.memory_space<vmem>> -> memref<4096xf32, #tpu.memory_space<vmem>>
      %dma_start3A_75 = arith.constant 0 : i32
      %dma_start3A_76 = tpu.memref_slice %arg4[%add3A_44, %dma_start3A_75] : memref<416x16384xf32, #tpu.memory_space<hbm>> -> memref<1x4096xf32, #tpu.memory_space<hbm>>
      %dma_start3A_77 = tpu.memref_squeeze %dma_start3A_76 : memref<1x4096xf32, #tpu.memory_space<hbm>> -> memref<4096xf32, #tpu.memory_space<hbm>>
      %dma_start3A_78 = tpu.memref_slice %arg9[%dma_start3A_71] : memref<2x!tpu.dma_semaphore, #tpu.memory_space<semaphore_mem>> -> memref<1x!tpu.dma_semaphore, #tpu.memory_space<semaphore_mem>>
      %dma_start3A_79 = tpu.memref_squeeze %dma_start3A_78 : memref<1x!tpu.dma_semaphore, #tpu.memory_space<semaphore_mem>> -> memref<!tpu.dma_semaphore, #tpu.memory_space<semaphore_mem>>
      %dma_start3A_80 = arith.constant 0 : i32
      %dma_start3A_81 = tpu.memref_slice %arg4[%add3A_44, %dma_start3A_80] : memref<416x16384xf32, #tpu.memory_space<hbm>> -> memref<1x4096xf32, #tpu.memory_space<hbm>>
      %dma_start3A_82 = tpu.memref_squeeze %dma_start3A_81 : memref<1x4096xf32, #tpu.memory_space<hbm>> -> memref<4096xf32, #tpu.memory_space<hbm>>
      %dma_start3A_83 = arith.constant 0 : i32
      %dma_start3A_84 = tpu.memref_slice %arg7[%dma_start3A_70, %dma_start3A_83] : memref<2x4096xf32, #tpu.memory_space<vmem>> -> memref<1x4096xf32, #tpu.memory_space<vmem>>
      %dma_start3A_85 = tpu.memref_squeeze %dma_start3A_84 : memref<1x4096xf32, #tpu.memory_space<vmem>> -> memref<4096xf32, #tpu.memory_space<vmem>>
      tpu.enqueue_dma source(%dma_start3A_85 : memref<4096xf32, #tpu.memory_space<vmem>>) target(%dma_start3A_82 : memref<4096xf32, #tpu.memory_space<hbm>>) target_semaphore(%dma_start3A_79 : memref<!tpu.dma_semaphore, #tpu.memory_space<semaphore_mem>>)
      %gt3A_86 = arith.constant 0 : i32
      %gt3A_87 = arith.cmpi sgt, %scan3A_40, %gt3A_86 : i32
      %convert_element_type3A_88 = arith.extui %gt3A_87 : i1 to i32
      %cond3A_89 = arith.constant 1 : i32
      %cond3A_90 = arith.constant 1 : i32
      %cond3A_91 = arith.constant 0 : i32
      %cond3A_92 = arith.cmpi ne, %convert_element_type3A_88, %cond3A_91 : i32
      scf.if %cond3A_92 {
        %dma_wait3A_182 = arith.constant 0 : i32
        %dma_wait3A_183 = tpu.memref_slice %arg7[%cond3A_89, %dma_wait3A_182] : memref<2x4096xf32, #tpu.memory_space<vmem>> -> memref<1x4096xf32, #tpu.memory_space<vmem>>
        %dma_wait3A_184 = tpu.memref_squeeze %dma_wait3A_183 : memref<1x4096xf32, #tpu.memory_space<vmem>> -> memref<4096xf32, #tpu.memory_space<vmem>>
        %dma_wait3A_185 = arith.constant 4096 : i32
        %dma_wait3A_186 = tpu.memref_slice %arg4[%add3A_44, %dma_wait3A_185] : memref<416x16384xf32, #tpu.memory_space<hbm>> -> memref<1x4096xf32, #tpu.memory_space<hbm>>
        %dma_wait3A_187 = tpu.memref_squeeze %dma_wait3A_186 : memref<1x4096xf32, #tpu.memory_space<hbm>> -> memref<4096xf32, #tpu.memory_space<hbm>>
        %dma_wait3A_188 = tpu.memref_slice %arg9[%cond3A_90] : memref<2x!tpu.dma_semaphore, #tpu.memory_space<semaphore_mem>> -> memref<1x!tpu.dma_semaphore, #tpu.memory_space<semaphore_mem>>
        %dma_wait3A_189 = tpu.memref_squeeze %dma_wait3A_188 : memref<1x!tpu.dma_semaphore, #tpu.memory_space<semaphore_mem>> -> memref<!tpu.dma_semaphore, #tpu.memory_space<semaphore_mem>>
        %dma_wait3A_190 = arith.constant 4096 : i32
        %dma_wait3A_191 = tpu.memref_slice %arg4[%add3A_44, %dma_wait3A_190] : memref<416x16384xf32, #tpu.memory_space<hbm>> -> memref<1x4096xf32, #tpu.memory_space<hbm>>
        %dma_wait3A_192 = tpu.memref_squeeze %dma_wait3A_191 : memref<1x4096xf32, #tpu.memory_space<hbm>> -> memref<4096xf32, #tpu.memory_space<hbm>>
        %dma_wait3A_193 = arith.constant 0 : i32
        %dma_wait3A_194 = tpu.memref_slice %arg7[%cond3A_89, %dma_wait3A_193] : memref<2x4096xf32, #tpu.memory_space<vmem>> -> memref<1x4096xf32, #tpu.memory_space<vmem>>
        %dma_wait3A_195 = tpu.memref_squeeze %dma_wait3A_194 : memref<1x4096xf32, #tpu.memory_space<vmem>> -> memref<4096xf32, #tpu.memory_space<vmem>>
        tpu.wait_dma2 semaphore(%dma_wait3A_189 : memref<!tpu.dma_semaphore, #tpu.memory_space<semaphore_mem>>) src(%dma_wait3A_195 : memref<4096xf32, #tpu.memory_space<vmem>>) dst(%dma_wait3A_192 : memref<4096xf32, #tpu.memory_space<hbm>>)
      } else {
      }
      %parallel_loop3A_93 = arith.constant 0 : i32
      %parallel_loop3A_94 = arith.constant 4096 : i32
      %parallel_loop3A_95 = arith.constant 16 : i32
      scf.for %parallel_loop3A_182 = %parallel_loop3A_93 to %parallel_loop3A_94 step %parallel_loop3A_95  : i32 {
        %parallel_loop3A_183 = arith.constant 4096 : i32
        %parallel_loop3A_184 = arith.addi %parallel_loop3A_183, %parallel_loop3A_182 : i32
        %parallel_loop3A_185 = arith.index_cast %parallel_loop3A_184 : i32 to index
        %parallel_loop3A_186 = tpu.vector_load %arg6[%parallel_loop3A_185] {strides = array<i32>} : memref<16384xi32, #tpu.memory_space<vmem>>, vector<16xi32>,
        %parallel_loop3A_187 = tpu.vector_load_idx %arg5[%parallel_loop3A_186] : memref<100000xf32, #tpu.memory_space<vmem>>[vector<16xi32>], vector<16xf32>,
        %parallel_loop3A_188 = arith.constant 1 : i32
        %parallel_loop3A_189 = arith.index_cast %parallel_loop3A_188 : i32 to index
        %parallel_loop3A_190 = arith.index_cast %parallel_loop3A_182 : i32 to index
        %parallel_loop3A_191 = tpu.vector_load %arg7[%parallel_loop3A_189, %parallel_loop3A_190] {strides = array<i32>} : memref<2x4096xf32, #tpu.memory_space<vmem>>, vector<16xf32>,
        tpu.vector_store %arg7[%parallel_loop3A_189, %parallel_loop3A_190], %parallel_loop3A_187 {strides = array<i32>} : memref<2x4096xf32, #tpu.memory_space<vmem>>, vector<16xf32>,
      } {sc.loop_unroll_factor = 8 : i64, sc.parallel_access}
      %dma_start3A_96 = arith.constant 1 : i32
      %dma_start3A_97 = arith.constant 1 : i32
      %dma_start3A_98 = arith.constant 0 : i32
      %dma_start3A_99 = tpu.memref_slice %arg7[%dma_start3A_96, %dma_start3A_98] : memref<2x4096xf32, #tpu.memory_space<vmem>> -> memref<1x4096xf32, #tpu.memory_space<vmem>>
      %dma_start3A_100 = tpu.memref_squeeze %dma_start3A_99 : memref<1x4096xf32, #tpu.memory_space<vmem>> -> memref<4096xf32, #tpu.memory_space<vmem>>
      %dma_start3A_101 = arith.constant 4096 : i32
      %dma_start3A_102 = tpu.memref_slice %arg4[%add3A_44, %dma_start3A_101] : memref<416x16384xf32, #tpu.memory_space<hbm>> -> memref<1x4096xf32, #tpu.memory_space<hbm>>
      %dma_start3A_103 = tpu.memref_squeeze %dma_start3A_102 : memref<1x4096xf32, #tpu.memory_space<hbm>> -> memref<4096xf32, #tpu.memory_space<hbm>>
      %dma_start3A_104 = tpu.memref_slice %arg9[%dma_start3A_97] : memref<2x!tpu.dma_semaphore, #tpu.memory_space<semaphore_mem>> -> memref<1x!tpu.dma_semaphore, #tpu.memory_space<semaphore_mem>>
      %dma_start3A_105 = tpu.memref_squeeze %dma_start3A_104 : memref<1x!tpu.dma_semaphore, #tpu.memory_space<semaphore_mem>> -> memref<!tpu.dma_semaphore, #tpu.memory_space<semaphore_mem>>
      %dma_start3A_106 = arith.constant 4096 : i32
      %dma_start3A_107 = tpu.memref_slice %arg4[%add3A_44, %dma_start3A_106] : memref<416x16384xf32, #tpu.memory_space<hbm>> -> memref<1x4096xf32, #tpu.memory_space<hbm>>
      %dma_start3A_108 = tpu.memref_squeeze %dma_start3A_107 : memref<1x4096xf32, #tpu.memory_space<hbm>> -> memref<4096xf32, #tpu.memory_space<hbm>>
      %dma_start3A_109 = arith.constant 0 : i32
      %dma_start3A_110 = tpu.memref_slice %arg7[%dma_start3A_96, %dma_start3A_109] : memref<2x4096xf32, #tpu.memory_space<vmem>> -> memref<1x4096xf32, #tpu.memory_space<vmem>>
      %dma_start3A_111 = tpu.memref_squeeze %dma_start3A_110 : memref<1x4096xf32, #tpu.memory_space<vmem>> -> memref<4096xf32, #tpu.memory_space<vmem>>
      tpu.enqueue_dma source(%dma_start3A_111 : memref<4096xf32, #tpu.memory_space<vmem>>) target(%dma_start3A_108 : memref<4096xf32, #tpu.memory_space<hbm>>) target_semaphore(%dma_start3A_105 : memref<!tpu.dma_semaphore, #tpu.memory_space<semaphore_mem>>)
      %dma_wait3A_112 = arith.constant 0 : i32
      %dma_wait3A_113 = arith.constant 0 : i32
      %dma_wait3A_114 = arith.constant 0 : i32
      %dma_wait3A_115 = tpu.memref_slice %arg7[%dma_wait3A_112, %dma_wait3A_114] : memref<2x4096xf32, #tpu.memory_space<vmem>> -> memref<1x4096xf32, #tpu.memory_space<vmem>>
      %dma_wait3A_116 = tpu.memref_squeeze %dma_wait3A_115 : memref<1x4096xf32, #tpu.memory_space<vmem>> -> memref<4096xf32, #tpu.memory_space<vmem>>
      %dma_wait3A_117 = arith.constant 8192 : i32
      %dma_wait3A_118 = tpu.memref_slice %arg4[%add3A_44, %dma_wait3A_117] : memref<416x16384xf32, #tpu.memory_space<hbm>> -> memref<1x4096xf32, #tpu.memory_space<hbm>>
      %dma_wait3A_119 = tpu.memref_squeeze %dma_wait3A_118 : memref<1x4096xf32, #tpu.memory_space<hbm>> -> memref<4096xf32, #tpu.memory_space<hbm>>
      %dma_wait3A_120 = tpu.memref_slice %arg9[%dma_wait3A_113] : memref<2x!tpu.dma_semaphore, #tpu.memory_space<semaphore_mem>> -> memref<1x!tpu.dma_semaphore, #tpu.memory_space<semaphore_mem>>
      %dma_wait3A_121 = tpu.memref_squeeze %dma_wait3A_120 : memref<1x!tpu.dma_semaphore, #tpu.memory_space<semaphore_mem>> -> memref<!tpu.dma_semaphore, #tpu.memory_space<semaphore_mem>>
      %dma_wait3A_122 = arith.constant 8192 : i32
      %dma_wait3A_123 = tpu.memref_slice %arg4[%add3A_44, %dma_wait3A_122] : memref<416x16384xf32, #tpu.memory_space<hbm>> -> memref<1x4096xf32, #tpu.memory_space<hbm>>
      %dma_wait3A_124 = tpu.memref_squeeze %dma_wait3A_123 : memref<1x4096xf32, #tpu.memory_space<hbm>> -> memref<4096xf32, #tpu.memory_space<hbm>>
      %dma_wait3A_125 = arith.constant 0 : i32
      %dma_wait3A_126 = tpu.memref_slice %arg7[%dma_wait3A_112, %dma_wait3A_125] : memref<2x4096xf32, #tpu.memory_space<vmem>> -> memref<1x4096xf32, #tpu.memory_space<vmem>>
      %dma_wait3A_127 = tpu.memref_squeeze %dma_wait3A_126 : memref<1x4096xf32, #tpu.memory_space<vmem>> -> memref<4096xf32, #tpu.memory_space<vmem>>
      tpu.wait_dma2 semaphore(%dma_wait3A_121 : memref<!tpu.dma_semaphore, #tpu.memory_space<semaphore_mem>>) src(%dma_wait3A_127 : memref<4096xf32, #tpu.memory_space<vmem>>) dst(%dma_wait3A_124 : memref<4096xf32, #tpu.memory_space<hbm>>)
      %parallel_loop3A_128 = arith.constant 0 : i32
      %parallel_loop3A_129 = arith.constant 4096 : i32
      %parallel_loop3A_130 = arith.constant 16 : i32
      scf.for %parallel_loop3A_182 = %parallel_loop3A_128 to %parallel_loop3A_129 step %parallel_loop3A_130  : i32 {
        %parallel_loop3A_183 = arith.constant 8192 : i32
        %parallel_loop3A_184 = arith.addi %parallel_loop3A_183, %parallel_loop3A_182 : i32
        %parallel_loop3A_185 = arith.index_cast %parallel_loop3A_184 : i32 to index
        %parallel_loop3A_186 = tpu.vector_load %arg6[%parallel_loop3A_185] {strides = array<i32>} : memref<16384xi32, #tpu.memory_space<vmem>>, vector<16xi32>,
        %parallel_loop3A_187 = tpu.vector_load_idx %arg5[%parallel_loop3A_186] : memref<100000xf32, #tpu.memory_space<vmem>>[vector<16xi32>], vector<16xf32>,
        %parallel_loop3A_188 = arith.constant 0 : i32
        %parallel_loop3A_189 = arith.index_cast %parallel_loop3A_188 : i32 to index
        %parallel_loop3A_190 = arith.index_cast %parallel_loop3A_182 : i32 to index
        %parallel_loop3A_191 = tpu.vector_load %arg7[%parallel_loop3A_189, %parallel_loop3A_190] {strides = array<i32>} : memref<2x4096xf32, #tpu.memory_space<vmem>>, vector<16xf32>,
        tpu.vector_store %arg7[%parallel_loop3A_189, %parallel_loop3A_190], %parallel_loop3A_187 {strides = array<i32>} : memref<2x4096xf32, #tpu.memory_space<vmem>>, vector<16xf32>,
      } {sc.loop_unroll_factor = 8 : i64, sc.parallel_access}
      %dma_start3A_131 = arith.constant 0 : i32
      %dma_start3A_132 = arith.constant 0 : i32
      %dma_start3A_133 = arith.constant 0 : i32
      %dma_start3A_134 = tpu.memref_slice %arg7[%dma_start3A_131, %dma_start3A_133] : memref<2x4096xf32, #tpu.memory_space<vmem>> -> memref<1x4096xf32, #tpu.memory_space<vmem>>
      %dma_start3A_135 = tpu.memref_squeeze %dma_start3A_134 : memref<1x4096xf32, #tpu.memory_space<vmem>> -> memref<4096xf32, #tpu.memory_space<vmem>>
      %dma_start3A_136 = arith.constant 8192 : i32
      %dma_start3A_137 = tpu.memref_slice %arg4[%add3A_44, %dma_start3A_136] : memref<416x16384xf32, #tpu.memory_space<hbm>> -> memref<1x4096xf32, #tpu.memory_space<hbm>>
      %dma_start3A_138 = tpu.memref_squeeze %dma_start3A_137 : memref<1x4096xf32, #tpu.memory_space<hbm>> -> memref<4096xf32, #tpu.memory_space<hbm>>
      %dma_start3A_139 = tpu.memref_slice %arg9[%dma_start3A_132] : memref<2x!tpu.dma_semaphore, #tpu.memory_space<semaphore_mem>> -> memref<1x!tpu.dma_semaphore, #tpu.memory_space<semaphore_mem>>
      %dma_start3A_140 = tpu.memref_squeeze %dma_start3A_139 : memref<1x!tpu.dma_semaphore, #tpu.memory_space<semaphore_mem>> -> memref<!tpu.dma_semaphore, #tpu.memory_space<semaphore_mem>>
      %dma_start3A_141 = arith.constant 8192 : i32
      %dma_start3A_142 = tpu.memref_slice %arg4[%add3A_44, %dma_start3A_141] : memref<416x16384xf32, #tpu.memory_space<hbm>> -> memref<1x4096xf32, #tpu.memory_space<hbm>>
      %dma_start3A_143 = tpu.memref_squeeze %dma_start3A_142 : memref<1x4096xf32, #tpu.memory_space<hbm>> -> memref<4096xf32, #tpu.memory_space<hbm>>
      %dma_start3A_144 = arith.constant 0 : i32
      %dma_start3A_145 = tpu.memref_slice %arg7[%dma_start3A_131, %dma_start3A_144] : memref<2x4096xf32, #tpu.memory_space<vmem>> -> memref<1x4096xf32, #tpu.memory_space<vmem>>
      %dma_start3A_146 = tpu.memref_squeeze %dma_start3A_145 : memref<1x4096xf32, #tpu.memory_space<vmem>> -> memref<4096xf32, #tpu.memory_space<vmem>>
      tpu.enqueue_dma source(%dma_start3A_146 : memref<4096xf32, #tpu.memory_space<vmem>>) target(%dma_start3A_143 : memref<4096xf32, #tpu.memory_space<hbm>>) target_semaphore(%dma_start3A_140 : memref<!tpu.dma_semaphore, #tpu.memory_space<semaphore_mem>>)
      %dma_wait3A_147 = arith.constant 1 : i32
      %dma_wait3A_148 = arith.constant 1 : i32
      %dma_wait3A_149 = arith.constant 0 : i32
      %dma_wait3A_150 = tpu.memref_slice %arg7[%dma_wait3A_147, %dma_wait3A_149] : memref<2x4096xf32, #tpu.memory_space<vmem>> -> memref<1x4096xf32, #tpu.memory_space<vmem>>
      %dma_wait3A_151 = tpu.memref_squeeze %dma_wait3A_150 : memref<1x4096xf32, #tpu.memory_space<vmem>> -> memref<4096xf32, #tpu.memory_space<vmem>>
      %dma_wait3A_152 = arith.constant 12288 : i32
      %dma_wait3A_153 = tpu.memref_slice %arg4[%add3A_44, %dma_wait3A_152] : memref<416x16384xf32, #tpu.memory_space<hbm>> -> memref<1x4096xf32, #tpu.memory_space<hbm>>
      %dma_wait3A_154 = tpu.memref_squeeze %dma_wait3A_153 : memref<1x4096xf32, #tpu.memory_space<hbm>> -> memref<4096xf32, #tpu.memory_space<hbm>>
      %dma_wait3A_155 = tpu.memref_slice %arg9[%dma_wait3A_148] : memref<2x!tpu.dma_semaphore, #tpu.memory_space<semaphore_mem>> -> memref<1x!tpu.dma_semaphore, #tpu.memory_space<semaphore_mem>>
      %dma_wait3A_156 = tpu.memref_squeeze %dma_wait3A_155 : memref<1x!tpu.dma_semaphore, #tpu.memory_space<semaphore_mem>> -> memref<!tpu.dma_semaphore, #tpu.memory_space<semaphore_mem>>
      %dma_wait3A_157 = arith.constant 12288 : i32
      %dma_wait3A_158 = tpu.memref_slice %arg4[%add3A_44, %dma_wait3A_157] : memref<416x16384xf32, #tpu.memory_space<hbm>> -> memref<1x4096xf32, #tpu.memory_space<hbm>>
      %dma_wait3A_159 = tpu.memref_squeeze %dma_wait3A_158 : memref<1x4096xf32, #tpu.memory_space<hbm>> -> memref<4096xf32, #tpu.memory_space<hbm>>
      %dma_wait3A_160 = arith.constant 0 : i32
      %dma_wait3A_161 = tpu.memref_slice %arg7[%dma_wait3A_147, %dma_wait3A_160] : memref<2x4096xf32, #tpu.memory_space<vmem>> -> memref<1x4096xf32, #tpu.memory_space<vmem>>
      %dma_wait3A_162 = tpu.memref_squeeze %dma_wait3A_161 : memref<1x4096xf32, #tpu.memory_space<vmem>> -> memref<4096xf32, #tpu.memory_space<vmem>>
      tpu.wait_dma2 semaphore(%dma_wait3A_156 : memref<!tpu.dma_semaphore, #tpu.memory_space<semaphore_mem>>) src(%dma_wait3A_162 : memref<4096xf32, #tpu.memory_space<vmem>>) dst(%dma_wait3A_159 : memref<4096xf32, #tpu.memory_space<hbm>>)
      %parallel_loop3A_163 = arith.constant 0 : i32
      %parallel_loop3A_164 = arith.constant 4096 : i32
      %parallel_loop3A_165 = arith.constant 16 : i32
      scf.for %parallel_loop3A_182 = %parallel_loop3A_163 to %parallel_loop3A_164 step %parallel_loop3A_165  : i32 {
        %parallel_loop3A_183 = arith.constant 12288 : i32
        %parallel_loop3A_184 = arith.addi %parallel_loop3A_183, %parallel_loop3A_182 : i32
        %parallel_loop3A_185 = arith.index_cast %parallel_loop3A_184 : i32 to index
        %parallel_loop3A_186 = tpu.vector_load %arg6[%parallel_loop3A_185] {strides = array<i32>} : memref<16384xi32, #tpu.memory_space<vmem>>, vector<16xi32>,
        %parallel_loop3A_187 = tpu.vector_load_idx %arg5[%parallel_loop3A_186] : memref<100000xf32, #tpu.memory_space<vmem>>[vector<16xi32>], vector<16xf32>,
        %parallel_loop3A_188 = arith.constant 1 : i32
        %parallel_loop3A_189 = arith.index_cast %parallel_loop3A_188 : i32 to index
        %parallel_loop3A_190 = arith.index_cast %parallel_loop3A_182 : i32 to index
        %parallel_loop3A_191 = tpu.vector_load %arg7[%parallel_loop3A_189, %parallel_loop3A_190] {strides = array<i32>} : memref<2x4096xf32, #tpu.memory_space<vmem>>, vector<16xf32>,
        tpu.vector_store %arg7[%parallel_loop3A_189, %parallel_loop3A_190], %parallel_loop3A_187 {strides = array<i32>} : memref<2x4096xf32, #tpu.memory_space<vmem>>, vector<16xf32>,
      } {sc.loop_unroll_factor = 8 : i64, sc.parallel_access}
      %dma_start3A_166 = arith.constant 1 : i32
      %dma_start3A_167 = arith.constant 1 : i32
      %dma_start3A_168 = arith.constant 0 : i32
      %dma_start3A_169 = tpu.memref_slice %arg7[%dma_start3A_166, %dma_start3A_168] : memref<2x4096xf32, #tpu.memory_space<vmem>> -> memref<1x4096xf32, #tpu.memory_space<vmem>>
      %dma_start3A_170 = tpu.memref_squeeze %dma_start3A_169 : memref<1x4096xf32, #tpu.memory_space<vmem>> -> memref<4096xf32, #tpu.memory_space<vmem>>
      %dma_start3A_171 = arith.constant 12288 : i32
      %dma_start3A_172 = tpu.memref_slice %arg4[%add3A_44, %dma_start3A_171] : memref<416x16384xf32, #tpu.memory_space<hbm>> -> memref<1x4096xf32, #tpu.memory_space<hbm>>
      %dma_start3A_173 = tpu.memref_squeeze %dma_start3A_172 : memref<1x4096xf32, #tpu.memory_space<hbm>> -> memref<4096xf32, #tpu.memory_space<hbm>>
      %dma_start3A_174 = tpu.memref_slice %arg9[%dma_start3A_167] : memref<2x!tpu.dma_semaphore, #tpu.memory_space<semaphore_mem>> -> memref<1x!tpu.dma_semaphore, #tpu.memory_space<semaphore_mem>>
      %dma_start3A_175 = tpu.memref_squeeze %dma_start3A_174 : memref<1x!tpu.dma_semaphore, #tpu.memory_space<semaphore_mem>> -> memref<!tpu.dma_semaphore, #tpu.memory_space<semaphore_mem>>
      %dma_start3A_176 = arith.constant 12288 : i32
      %dma_start3A_177 = tpu.memref_slice %arg4[%add3A_44, %dma_start3A_176] : memref<416x16384xf32, #tpu.memory_space<hbm>> -> memref<1x4096xf32, #tpu.memory_space<hbm>>
      %dma_start3A_178 = tpu.memref_squeeze %dma_start3A_177 : memref<1x4096xf32, #tpu.memory_space<hbm>> -> memref<4096xf32, #tpu.memory_space<hbm>>
      %dma_start3A_179 = arith.constant 0 : i32
      %dma_start3A_180 = tpu.memref_slice %arg7[%dma_start3A_166, %dma_start3A_179] : memref<2x4096xf32, #tpu.memory_space<vmem>> -> memref<1x4096xf32, #tpu.memory_space<vmem>>
      %dma_start3A_181 = tpu.memref_squeeze %dma_start3A_180 : memref<1x4096xf32, #tpu.memory_space<vmem>> -> memref<4096xf32, #tpu.memory_space<vmem>>
      tpu.enqueue_dma source(%dma_start3A_181 : memref<4096xf32, #tpu.memory_space<vmem>>) target(%dma_start3A_178 : memref<4096xf32, #tpu.memory_space<hbm>>) target_semaphore(%dma_start3A_175 : memref<!tpu.dma_semaphore, #tpu.memory_space<semaphore_mem>>)
      scf.yield %div3A_45 : i32
    }
    %scan3A_6 = arith.constant 13 : i32
    %dma_wait3A = arith.constant 0 : i32
    %dma_wait3A_7 = arith.constant 0 : i32
    %dma_wait3A_8 = arith.constant 0 : i32
    %dma_wait3A_9 = arith.constant 0 : i32
    %dma_wait3A_10 = tpu.memref_slice %arg7[%dma_wait3A, %dma_wait3A_9] : memref<2x4096xf32, #tpu.memory_space<vmem>> -> memref<1x4096xf32, #tpu.memory_space<vmem>>
    %dma_wait3A_11 = tpu.memref_squeeze %dma_wait3A_10 : memref<1x4096xf32, #tpu.memory_space<vmem>> -> memref<4096xf32, #tpu.memory_space<vmem>>
    %dma_wait3A_12 = arith.constant 0 : i32
    %dma_wait3A_13 = tpu.memref_slice %arg4[%dma_wait3A_7, %dma_wait3A_12] : memref<416x16384xf32, #tpu.memory_space<hbm>> -> memref<1x4096xf32, #tpu.memory_space<hbm>>
    %dma_wait3A_14 = tpu.memref_squeeze %dma_wait3A_13 : memref<1x4096xf32, #tpu.memory_space<hbm>> -> memref<4096xf32, #tpu.memory_space<hbm>>
    %dma_wait3A_15 = tpu.memref_slice %arg9[%dma_wait3A_8] : memref<2x!tpu.dma_semaphore, #tpu.memory_space<semaphore_mem>> -> memref<1x!tpu.dma_semaphore, #tpu.memory_space<semaphore_mem>>
    %dma_wait3A_16 = tpu.memref_squeeze %dma_wait3A_15 : memref<1x!tpu.dma_semaphore, #tpu.memory_space<semaphore_mem>> -> memref<!tpu.dma_semaphore, #tpu.memory_space<semaphore_mem>>
    %dma_wait3A_17 = arith.constant 0 : i32
    %dma_wait3A_18 = tpu.memref_slice %arg4[%dma_wait3A_7, %dma_wait3A_17] : memref<416x16384xf32, #tpu.memory_space<hbm>> -> memref<1x4096xf32, #tpu.memory_space<hbm>>
    %dma_wait3A_19 = tpu.memref_squeeze %dma_wait3A_18 : memref<1x4096xf32, #tpu.memory_space<hbm>> -> memref<4096xf32, #tpu.memory_space<hbm>>
    %dma_wait3A_20 = arith.constant 0 : i32
    %dma_wait3A_21 = tpu.memref_slice %arg7[%dma_wait3A, %dma_wait3A_20] : memref<2x4096xf32, #tpu.memory_space<vmem>> -> memref<1x4096xf32, #tpu.memory_space<vmem>>
    %dma_wait3A_22 = tpu.memref_squeeze %dma_wait3A_21 : memref<1x4096xf32, #tpu.memory_space<vmem>> -> memref<4096xf32, #tpu.memory_space<vmem>>
    tpu.wait_dma2 semaphore(%dma_wait3A_16 : memref<!tpu.dma_semaphore, #tpu.memory_space<semaphore_mem>>) src(%dma_wait3A_22 : memref<4096xf32, #tpu.memory_space<vmem>>) dst(%dma_wait3A_19 : memref<4096xf32, #tpu.memory_space<hbm>>)
    %dma_wait3A_23 = arith.constant 1 : i32
    %dma_wait3A_24 = arith.constant 0 : i32
    %dma_wait3A_25 = arith.constant 1 : i32
    %dma_wait3A_26 = arith.constant 0 : i32
    %dma_wait3A_27 = tpu.memref_slice %arg7[%dma_wait3A_23, %dma_wait3A_26] : memref<2x4096xf32, #tpu.memory_space<vmem>> -> memref<1x4096xf32, #tpu.memory_space<vmem>>
    %dma_wait3A_28 = tpu.memref_squeeze %dma_wait3A_27 : memref<1x4096xf32, #tpu.memory_space<vmem>> -> memref<4096xf32, #tpu.memory_space<vmem>>
    %dma_wait3A_29 = arith.constant 4096 : i32
    %dma_wait3A_30 = tpu.memref_slice %arg4[%dma_wait3A_24, %dma_wait3A_29] : memref<416x16384xf32, #tpu.memory_space<hbm>> -> memref<1x4096xf32, #tpu.memory_space<hbm>>
    %dma_wait3A_31 = tpu.memref_squeeze %dma_wait3A_30 : memref<1x4096xf32, #tpu.memory_space<hbm>> -> memref<4096xf32, #tpu.memory_space<hbm>>
    %dma_wait3A_32 = tpu.memref_slice %arg9[%dma_wait3A_25] : memref<2x!tpu.dma_semaphore, #tpu.memory_space<semaphore_mem>> -> memref<1x!tpu.dma_semaphore, #tpu.memory_space<semaphore_mem>>
    %dma_wait3A_33 = tpu.memref_squeeze %dma_wait3A_32 : memref<1x!tpu.dma_semaphore, #tpu.memory_space<semaphore_mem>> -> memref<!tpu.dma_semaphore, #tpu.memory_space<semaphore_mem>>
    %dma_wait3A_34 = arith.constant 4096 : i32
    %dma_wait3A_35 = tpu.memref_slice %arg4[%dma_wait3A_24, %dma_wait3A_34] : memref<416x16384xf32, #tpu.memory_space<hbm>> -> memref<1x4096xf32, #tpu.memory_space<hbm>>
    %dma_wait3A_36 = tpu.memref_squeeze %dma_wait3A_35 : memref<1x4096xf32, #tpu.memory_space<hbm>> -> memref<4096xf32, #tpu.memory_space<hbm>>
    %dma_wait3A_37 = arith.constant 0 : i32
    %dma_wait3A_38 = tpu.memref_slice %arg7[%dma_wait3A_23, %dma_wait3A_37] : memref<2x4096xf32, #tpu.memory_space<vmem>> -> memref<1x4096xf32, #tpu.memory_space<vmem>>
    %dma_wait3A_39 = tpu.memref_squeeze %dma_wait3A_38 : memref<1x4096xf32, #tpu.memory_space<vmem>> -> memref<4096xf32, #tpu.memory_space<vmem>>
    tpu.wait_dma2 semaphore(%dma_wait3A_33 : memref<!tpu.dma_semaphore, #tpu.memory_space<semaphore_mem>>) src(%dma_wait3A_39 : memref<4096xf32, #tpu.memory_space<vmem>>) dst(%dma_wait3A_36 : memref<4096xf32, #tpu.memory_space<hbm>>)
    return
  }
}

</mosaic_0001>

<sc_bundles>
// kernel: kernel.3.cloned.1.call-start
scs
__scs_entry_jumppad:
0x0: {  	(pc) =	sbr.rel $0x88, $3  }
0x1: {  	(tag) =	ssettag $0x0;
	lr =	simm.s32 $0x1  }
0x2: {  	[smem:$0x3F9F] =	sst lr;
	_ =	strace $0xD0000000  }
0x3: {  	_ = 	snop  }
0x4: {  	_ = 	snop  }
0x5: {  	_ = 	snop  }
0x6: {  	_ = 	snop  }
0x7: {  	_ = 	snop  }
__scs_overlays_trampoline_lowered:
0x8: {  	[smem:$0x3FAE] =	sst s0  }
0x9: {  	[smem:$0x3FAF] =	sst s1  }
0xa: {  	[smem:$0x3FB0] =	sst s2  }
0xb: {  	[smem:$0x3FB1] =	sst s3  }
0xc: {  	[smem:$0x3FB2] =	sst s4  }
0xd: {  	[smem:$0x3FB3] =	sst s5  }
0xe: {  	[smem:$0x3FB4] =	sst s6  }
0xf: {  	[smem:$0x3FB5] =	sst s7  }
0x10: {  	[smem:$0x3FB6] =	sst s8  }
0x11: {  	[smem:$0x3FB7] =	sst s9;
	s0 =	simm.s32 @!p0 $0x0  }
0x12: {  	s1 =	sld [smem:$0x3F9D];
	s0 =	simm.s32 @p0 $0x1  }
0x13: {  	[smem:$0x3FB8] =	sst s0;
	s0 =	simm.s32 @!p1 $0x0  }
0x14: {  	s2 =	sld [smem:$0x3F9C];
	s0 =	simm.s32 @p1 $0x1  }
0x15: {  	[smem:$0x3FB9] =	sst s0;
	s0 =	simm.s32 @!p2 $0x0  }
0x16: {  	s3 =	sld [smem:$0x3FDB];
	s0 =	simm.s32 @p2 $0x1  }
0x17: {  	s4 =	simm.s32 $0x1BF5;
	[smem:$0x3FBB] =	sst s0  }
0x18: {  	s0 =	sld [smem:$0x3F9E];
	_ =	swait.ge [sflag:s4], $0x0  }
0x19: {  	s7 =	sld [smem:$0x3F9F]  }
0x1a: {  	s8 =	sadd.s32 $0xFFFFE003, lr  }
0x1b: {  	s9 =	sadd.s32 $0xFFFFFEF7, lr;
	s5 =	simm.s32 $0xFFFFFFFF;
	p2 =	slt.u32 s8, $0xFFFFF086  }
0x1c: {  	p1 =	slt.u32 s9, $0xF7A;
	s5 =	simm.s32 @!p2 $0x0  }
0x1d: {  	s5 =	simm.s32 @p1 $0x1;
	p0 =	seq.s32 s7, s2  }
0x1e: {  	s7 =	smul.u32 @!p0 $0xF7A, s2;
	p2 =	seq.s32 @!p0 s5, $0x0  }
0x1f: {  	s9 =	smul.u32 $0xF7A, s1;
	s8 =	simm.s32 @!p0 $0x1BF5;
	p2 =	por !p2, p0  }
0x20: {  	[sflag:s8] =	ssyncset.s32 @!p0 $0xFFFFF086;
	s6 =	sadd.s32 @!p0 s3, s7;
	s7 =	simm.s32 @!p0 $0x108  }
0x21: {  	s3 =	sadd.s32 s3, s9;
	s6 =	sadd.s32 @!p0 $0x88, s6;
	s7 =	simm.s32 @p2 $0x1082  }
0x22: {  	[simem:s7], [sflag:s8] =	dma.local @!p0 [hbm:s6], $0xF7A  }
0x23: {  	s9 =	sor.u32 $0xD0000000, s2;
	s6 =	simm.s32 $0x108;
	_ =	swait.ge @!p0 [sflag:s8], $0x0  }
0x24: {  	s3 =	sadd.s32 $0x88, s3;
	s6 =	simm.s32 @!p1 $0x1082;
	[sflag:s4] =	ssyncset.s32 $0xFFFFF086  }
0x25: {  	[simem:s6], [sflag:s4] =	dma.local [hbm:s3], $0xF7A  }
0x26: {  	[smem:$0x3F9F] =	sst s1;
	(tag) =	ssettag s2;
	_ =	strace s9  }
0x27: {  	s1 =	sld [smem:$0x3FAF]  }
0x28: {  	s2 =	sld [smem:$0x3FB0]  }
0x29: {  	s4 =	sld [smem:$0x3FB2]  }
0x2a: {  	p0 =	seq.s32 s5, $0x0;
	s5 =	sld [smem:$0x3FB3]  }
0x2b: {  	s6 =	sld [smem:$0x3FB4]  }
0x2c: {  	s7 =	sld [smem:$0x3FB5]  }
0x2d: {  	s3 =	simm.s32 $0x108;
	s8 =	sld [smem:$0x3FB6]  }
0x2e: {  	s3 =	simm.s32 @!p0 $0x1082;
	s9 =	sld [smem:$0x3FB7]  }
0x2f: {  	lr =	sadd.s32 s0, s3;
	s0 =	sld [smem:$0x3FAE]  }
0x30: {  	s3 =	sld [smem:$0x3FB1]  }
0x31: {  	[smem:$0x3FBA] =	sst s10  }
0x32: {  	s10 =	sld [smem:$0x3FB8];
	_ =	sdelay $0x3  }
0x33: {  	p0 =	seq.s32 s10, $0x1;
	s10 =	sld [smem:$0x3FBA];
	_ =	sdelay $0x3  }
0x34: {  	[smem:$0x3FBA] =	sst s10  }
0x35: {  	s10 =	sld [smem:$0x3FB9];
	_ =	sdelay $0x3  }
0x36: {  	p1 =	seq.s32 s10, $0x1;
	s10 =	sld [smem:$0x3FBA];
	_ =	sdelay $0x3  }
0x37: {  	[smem:$0x3FBA] =	sst s10  }
0x38: {  	s10 =	sld [smem:$0x3FBB]  }
0x39: {  	_ = 	snop;
	(pc) =	sbr.ind lr, $3  }
0x3a: {  	_ = 	snop  }
0x3b: {  	_ = 	snop  }
0x3c: {  	p2 =	seq.s32 s10, $0x1;
	s10 =	sld [smem:$0x3FBA]  }
0x3d: {  	_ =	shalt  }
0x3e: {  	_ =	shalt  }
0x3f: {  	_ =	shalt  }
0x40: {  	_ =	shalt  }
0x41: {  	_ =	shalt  }
0x42: {  	_ =	shalt  }
0x43: {  	_ =	shalt  }
0x44: {  	_ =	shalt  }
0x45: {  	_ =	shalt  }
0x46: {  	_ =	shalt  }
0x47: {  	_ =	shalt  }
0x48: {  	_ =	shalt  }
0x49: {  	_ =	shalt  }
0x4a: {  	_ =	shalt  }
0x4b: {  	_ =	shalt  }
0x4c: {  	_ =	shalt  }
0x4d: {  	_ =	shalt  }
0x4e: {  	_ =	shalt  }
0x4f: {  	_ =	shalt  }
0x50: {  	_ =	shalt  }
0x51: {  	_ =	shalt  }
0x52: {  	_ =	shalt  }
0x53: {  	_ =	shalt  }
0x54: {  	_ =	shalt  }
0x55: {  	_ =	shalt  }
0x56: {  	_ =	shalt  }
0x57: {  	_ =	shalt  }
0x58: {  	_ =	shalt  }
0x59: {  	_ =	shalt  }
0x5a: {  	_ =	shalt  }
0x5b: {  	_ =	shalt  }
0x5c: {  	_ =	shalt  }
0x5d: {  	_ =	shalt  }
0x5e: {  	_ =	shalt  }
0x5f: {  	_ =	shalt  }
0x60: {  	_ =	shalt  }
0x61: {  	_ =	shalt  }
0x62: {  	_ =	shalt  }
0x63: {  	_ =	shalt  }
0x64: {  	_ =	shalt  }
0x65: {  	_ =	shalt  }
0x66: {  	_ =	shalt  }
0x67: {  	_ =	shalt  }
0x68: {  	_ =	shalt  }
0x69: {  	_ =	shalt  }
0x6a: {  	_ =	shalt  }
0x6b: {  	_ =	shalt  }
0x6c: {  	_ =	shalt  }
0x6d: {  	_ =	shalt  }
0x6e: {  	_ =	shalt  }
0x6f: {  	_ =	shalt  }
0x70: {  	_ =	shalt  }
0x71: {  	_ =	shalt  }
0x72: {  	_ =	shalt  }
0x73: {  	_ =	shalt  }
0x74: {  	_ =	shalt  }
0x75: {  	_ =	shalt  }
0x76: {  	_ =	shalt  }
0x77: {  	_ =	shalt  }
0x78: {  	_ =	shalt  }
0x79: {  	_ =	shalt  }
0x7a: {  	_ =	shalt  }
0x7b: {  	_ =	shalt  }
0x7c: {  	_ =	shalt  }
0x7d: {  	_ =	shalt  }
0x7e: {  	_ =	shalt  }
0x7f: {  	_ =	shalt  }
0x80: {  	_ =	shalt  }
0x81: {  	_ =	shalt  }
0x82: {  	_ =	shalt  }
0x83: {  	_ =	shalt  }
0x84: {  	_ =	shalt  }
0x85: {  	_ =	shalt  }
0x86: {  	_ =	shalt  }
0x87: {  	_ =	shalt  }
.Lfunc_end0:
.L_simem_size_0:
called_computation_lowered:
.L_overlay_start_0:
0x88: {  	s2 =	sld [smem:$0x3FD9]  }
0x89: {  	s3 =	sld [smem:$0x3FFE];
	_ =	sdelay $0x1  }
0x8a: {  	s1 =	srdreg.scid  }
0x8b: {  	s0 =	sand.u32 $0x1, s1  }
0x8c: {  	s18 =	sshll.u32 s0, $0xA;
	s2 =	sadd.s32 s3, s2  }
0x8d: {  	s2 =	sadd.s32 s2, s18  }
0x8e: {  	[smem:$0x3FC6] =	sst s2  }
0x8f: {  	_ = 	snop  }
0x90: {  	s2 =	sld [smem:$0x3FC9]  }
0x91: {  	s19 =	sld [smem:$0x3FC8]  }
0x92: {  	s4 =	sld [smem:$0x3FD0];
	(tm) =	ssettm $0x1  }
0x93: {  	s5 =	sld [smem:$0x3FFB];
	_ =	sdelay $0x3  }
0x94: {  	_ =	strace s5  }
0x95: {  	s5 =	sld [smem:$0x3FFC];
	_ =	sdelay $0x3  }
0x96: {  	_ =	strace s5  }
0x97: {  	s5 =	sld [smem:$0x3FFD];
	_ =	sdelay $0x3  }
0x98: {  	_ =	strace s5  }
0x99: {  	_ =	strace $0x8FFFFFFF  }
0x9a: {  	s20 =	sld [smem:$0x3FDB];
	_ =	sdelay $0x1  }
0x9b: {  	s6 =	simm.s32 $_scs_section_size  }
0x9c: {  	s7 =	simm.s32 $_size__tile_overlayer_lowered;
	s8 =	simm.s32 $_tile_overlayer_lowered  }
0x9d: {  	s23 =	simm.s32 $0x1BFF;
	s22 =	sshll.u32 s8, $0x1;
	s5 =	sadd.s32 s6, s20  }
0x9e: {  	s9 =	simm.s32 $0x0;
	s21 =	sshll.u32 s7, $0x1;
	s7 =	sadd.s32 s22, s5  }
0x9f: {  	[timem:s9], [sflag:s23] =	dma.local [hbm:s7], s21  }
0xa0: {  	_ =	swait.ge [sflag:s23], s21  }
0xa1: {  	s6 =	ssub.s32 $0x0, s21;
	[sflag:s23] =	ssyncset.done $0x0  }
0xa2: {  	[sflag:s23] =	ssyncadd.s32 s6;
	_ =	sdelay $0x1  }
0xa3: {  	s24 =	simm.s32 $0x1B8B  }
0xa4: {  	_ =	swait.ge [sflag:s24], $0x1  }
0xa5: {  	[sflag:s24] =	ssyncset.done $0x0  }
0xa6: {  	s25 =	simm.s32 $0x1B8E;
	[sflag:s24] =	ssyncadd.s32 $0xFFFFFFFF  }
0xa7: {  	s26 =	simm.s32 $execute0_lowered;
	[smem:$0x3FD2] =	sst s25  }
0xa8: {  	s6 =	sshll.u32 s26, $0x1;
	_ =	strace $0x80000046;
	[dreg:$0x1] =	wrdreg $0xFFFFFFFF  }
0xa9: {  	s28 =	simm.s32 $_size_execute0_lowered;
	s5 =	sadd.s32 s5, s6;
	[dreg:$0x0] =	wrdreg $0x0  }
0xaa: {  	s6 =	sshll.u32 s28, $0x1;
	[dreg:$0x2] =	wrdreg s5  }
0xab: {  	[dreg:$0x3] =	wrdreg s6  }
0xac: {  	[dreg:$0x4] =	wrdreg $0xC0  }
0xad: {  	_ =	task [dreg:s9], $0x5FFFF  }
0xae: {  	[dreg:$0x1] =	wrdreg $0xFFFFFFFF  }
0xaf: {  	[dreg:$0x0] =	wrdreg $0x60  }
0xb0: {  	[dreg:$0x2] =	wrdreg s2  }
0xb1: {  	[dreg:$0x3] =	wrdreg s19  }
0xb2: {  	[dreg:$0x4] =	wrdreg s4  }
0xb3: {  	[dreg:$0x5] =	wrdreg $0x9  }
0xb4: {  	_ =	task.clear_ibuf [dreg:s9], $0x6FFFF;
	_ =	strace $0x90000046  }
0xb5: {  	s29 =	simm.s32 $0x9;
	_ =	strace $0x80000048  }
0xb6: {  	_ =	swait.ge [sflag:s29], $0x1  }
0xb7: {  	[sflag:s29] =	ssyncadd.s32 $0xFFFFFFFF  }
0xb8: {  	_ =	strace $0x90000048  }
0xb9: {  	_ =	sfence  }
0xba: {  	s30 =	sld [smem:$0x0];
	_ =	sdelay $0x2  }
0xbb: {  	s31 =	sshll.u32 s1, $0xD;
	s1 =	sshrl.u32 s1, $0x2  }
0xbc: {  	s3 =	sand.u32 $0x4000, s31;
	s1 =	sadd.s32 s1, s30  }
0xbd: {  	s0 =	sor.u32 s3, s0;
	s1 =	sshll.u32 s1, $0x11  }
0xbe: {  	s0 =	sor.u32 s1, s0  }
0xbf: {  	s0 =	sadd.s32 $0x8F2B, s0  }
0xc0: {  	[sflag:s0] =	ssyncadd.remote.s32 $0x1  }
0xc1: {  	_ =	sfence.sel $0xFFFF  }
0xc2: {  	[dreg:$0x0] =	wrdreg $0xFFFFFFFF;
	(pc) =	sbr.abs _section_cstart, $3  }
0xc3: {  	[dreg:$0x1] =	wrdreg $0xFFFFFFFF  }
0xc4: {  	_ =	task.clear_ibuf [dreg:s9], $0x2FFFF;
	_ =	strace $0x9FFFFFFF  }
0xc5: {  	(tm) =	ssettm $0x7FFFFFFF  }
tec
execute0_lowered:
.L_overlay_start_1:
0x0: {  	(tag) =	ssettag $0x1  }
0x1: {  	s1 =	rddreg [dreg:$0x0]  }
0x2: {  	s2 =	rddreg [dreg:$0x1]  }
0x3: {  	s4 =	rddreg [dreg:$0x2]  }
0x4: {  	s0 =	rddreg [dreg:$0x3];
	s6 =	srdreg.scid  }
0x5: {  	s5 =	simm.s32 $0x0;
	s3 =	stileid.u32;
	s11 =	simm.s32 $0x80  }
0x6: {  	s12 =	simm.s32 $0x400;
	s13 =	simm.s32 $0x1;
	s14 =	simm.s32 $0x2  }
0x7: {  	s15 =	simm.s32 $0x3;
	s16 =	simm.s32 $0x0;
	s6 =	sand.u32 $0x1, s6  }
0x8: {  	[smem:$0x7FF] =	sst s5;
	s8 =	sshll.u32 s3, $0x1;
	s7 =	ssub.s32 $0x2, s6  }
0x9: {  	_ =	strace $0x80000047;
	s6 =	sor.u32 s6, s8;
	s9 =	sshrl.u32 s7, $0x1  }
0xa: {  	s8 =	sadd.s32 $0x2000, s4;
	s6 =	smul.u32 $0xD, s6;
	s10 =	ssub.s32 s7, s9  }
0xb: {  	s7 =	sadd.s32 $0x1000, s4;
	s9 =	sadd.s32 $0x3000, s4;
	s10 =	smax.u32 s10, $0x1  }
.LBB2_1:
0xc: {  	s18 =	simm.s32 $0xFFFFFFFF;
	s17 =	simm.s32 $0x0  }
.LBB2_2:
0xd: {  	s19 =	sadd.s32 s6, s17  }
0xe: {  	s20 =	smov.u32 s18;
	s18 =	sshrl.u32 s19, $0x4  }
0xf: {  	s22 =	sand.u32 $0xF, s19;
	p1 =	seq.s32 s18, s20;
	s28 =	smul.u32 $0x187000, s18  }
0x10: {  	s29 =	sshrl.u32 s22, $0x3;
	s20 =	sshll.u32 @!p1 s18, $0xB;
	s21 =	sand.u32 @!p1 $0x70, s19  }
0x11: {  	s23 =	simm.s32 @!p1 $0x400;
	s20 =	sand.u32 @!p1 $0xFFFC000, s20;
	s21 =	sadd.s32 @!p1 s1, s21  }
0x12: {  	s24 =	simm.s32 @!p1 $0x18700;
	s20 =	sadd.s32 @!p1 s20, s21;
	s21 =	simm.s32 @!p1 $0x80  }
0x13: {  	[tilespmem:s24], [sflag:$0x1] =	stream.strided.gather @!p1 [hbm4b:s20+s21], $0x4000, s23, s21, $0x38;
	[tilespmem:$0x1E700] =	vst v63  }
0x14: {  	s21 =	smul.u32 $0xC3800, s29  }
0x15: {  	s22 =	sshll.u32 s22, $0x7  }
0x16: {  	s30 =	sand.u32 $0x380, s22;
	s20 =	sadd.s32 s28, s21  }
0x17: {  	s20 =	sor.u32 s30, s20  }
0x18: {  	s20 =	sshrl.u32 s20, $0x3  }
0x19: {  	s20 =	sadd.s32 s2, s20  }
0x1a: {  	[tilespmem:s5], [sflag:$0x1] =	stream.strided.gather [hbm4b:s20+s11], $0x18700, s12, s11, $0x38;
	[tilespmem:$0x1E700] =	vst v63  }
0x1b: {  	_ =	swait.ge [sflag:s13], $0x18700  }
0x1c: {  	[sflag:s13] =	ssyncset.done $0x0  }
0x1d: {  	s20 =	simm.s32 @!p1 $0x1;
	[sflag:s13] =	ssyncadd.s32 $0xFFFE7900  }
0x1e: {  	_ =	swait.ge @!p1 [sflag:s20], $0x4000  }
0x1f: {  	p0 =	seq.s32 s17, $0x0;
	[sflag:s20] =	ssyncset.done @!p1 $0x0  }
0x20: {  	[sflag:s20] =	ssyncadd.s32 @!p1 $0xFFFFC000;
	s20 =	simm.s32 @!p0 $0x2  }
0x21: {  	_ =	swait.ge @!p0 [sflag:s20], $0x1000  }
0x22: {  	[sflag:s20] =	ssyncset.done @!p0 $0x0  }
0x23: {  	s31 =	simm.s32 $0x18740;
	[sflag:s20] =	ssyncadd.s32 @!p0 $0xFFFFF000  }
0x24: {  	v0 =	vld [tilespmem:s31+$0x30]  }
0x25: {  	v1 =	vld [tilespmem:s31+$0xFFFFFFD0]  }
0x26: {  	v2 =	vld [tilespmem:s31+$0xFFFFFFE0]  }
0x27: {  	v3 =	vld [tilespmem:s31+$0xFFFFFFF0]  }
0x28: {  	v6 =	vld [tilespmem:s31+$0x0]  }
0x29: {  	v7 =	vld [tilespmem:s31+$0x10]  }
0x2a: {  	v8 =	vld [tilespmem:s31+$0x20]  }
0x2b: {  	v9 =	vld [tilespmem:s31+$0xFFFFFFC0]  }
0x2c: {  	v10 =	vld.idx.msk [tilespmem:v0+s5+$0x0], $0xffff  }
0x2d: {  	v11 =	vld.idx.msk [tilespmem:v1+s5+$0x0], $0xffff  }
0x2e: {  	v5 =	vld.idx.msk [tilespmem:v2+s5+$0x0], $0xffff  }
0x2f: {  	v4 =	vld.idx.msk [tilespmem:v3+s5+$0x0], $0xffff  }
0x30: {  	v3 =	vld.idx.msk [tilespmem:v6+s5+$0x0], $0xffff  }
0x31: {  	s20 =	simm.s32 $0x1C740;
	v2 =	vld.idx.msk [tilespmem:v7+s5+$0x0], $0xffff  }
0x32: {  	v0 =	vld.idx.msk [tilespmem:v8+s5+$0x0], $0xffff;
	[tilespmem:s20+$0x30] =	vst v10  }
0x33: {  	s22 =	simm.s32 $0x187C0;
	s21 =	simm.s32 $0x0;
	v1 =	vld.idx.msk [tilespmem:v9+s5+$0x0], $0xffff;
	[tilespmem:s20+$0xFFFFFFD0] =	vst v11  }
.LBB2_3:
0x34: {  	v6 =	vld [tilespmem:s22+$0x30];
	s21 =	sadd.s32 $0x80, s21;
	[tilespmem:s20+$0xFFFFFFE0] =	vst v5  }
0x35: {  	v5 =	vld [tilespmem:s22+$0xFFFFFFD0];
	p1 =	slt.u32 s21, $0xF80;
	[tilespmem:s20+$0xFFFFFFF0] =	vst v4  }
0x36: {  	v4 =	vld [tilespmem:s22+$0xFFFFFFE0];
	[tilespmem:s20+$0x0] =	vst v3  }
0x37: {  	v3 =	vld [tilespmem:s22+$0xFFFFFFF0];
	[tilespmem:s20+$0x10] =	vst v2  }
0x38: {  	v2 =	vld [tilespmem:s22+$0x0];
	[tilespmem:s20+$0x20] =	vst v0  }
0x39: {  	v0 =	vld [tilespmem:s22+$0x10];
	[tilespmem:s20+$0xFFFFFFC0] =	vst v1  }
0x3a: {  	v1 =	vld [tilespmem:s22+$0x20]  }
0x3b: {  	v7 =	vld [tilespmem:s22+$0xFFFFFFC0]  }
0x3c: {  	v6 =	vld.idx.msk [tilespmem:v6+s5+$0x0], $0xffff  }
0x3d: {  	v8 =	vld.idx.msk [tilespmem:v5+s5+$0x0], $0xffff  }
0x3e: {  	v5 =	vld.idx.msk [tilespmem:v4+s5+$0x0], $0xffff  }
.Ltmp0:
0x3f: {  	v4 =	vld.idx.msk [tilespmem:v3+s5+$0x0], $0xffff;
	(pc) =	sbr.rel @p1 .LBB2_3-.Ltmp0, $4  }
0x40: {  	v3 =	vld.idx.msk [tilespmem:v2+s5+$0x0], $0xffff  }
0x41: {  	s20 =	sadd.s32 $0x100, s20;
	v2 =	vld.idx.msk [tilespmem:v0+s5+$0x0], $0xffff  }
0x42: {  	v0 =	vld.idx.msk [tilespmem:v1+s5+$0x0], $0xffff;
	[tilespmem:s20+$0x30] =	vst v6  }
0x43: {  	s22 =	sadd.s32 $0x80, s22;
	v1 =	vld.idx.msk [tilespmem:v7+s5+$0x0], $0xffff;
	[tilespmem:s20+$0xFFFFFFD0] =	vst v8  }
0x44: {  	[tilespmem:s20+$0xFFFFFFE0] =	vst v5  }
0x45: {  	[tilespmem:s20+$0xFFFFFFF0] =	vst v4;
	s21 =	sshll.u32 s19, $0xB;
	s31 =	sshll.u32 s19, $0x4  }
0x46: {  	[tilespmem:s20+$0x0] =	vst v3;
	s21 =	sand.u32 $0xFFFC000, s21;
	s19 =	sand.u32 $0x70, s31  }
0x47: {  	[tilespmem:s20+$0x10] =	vst v2;
	s19 =	sor.u32 s19, s21  }
0x48: {  	s22 =	simm.s32 $0x1C700;
	[tilespmem:s20+$0x20] =	vst v0;
	s21 =	sadd.s32 s4, s19  }
0x49: {  	s23 =	simm.s32 $0x1C800;
	[tilespmem:s20+$0xFFFFFFC0] =	vst v1;
	s20 =	simm.s32 $0x80;
	s24 =	sadd.s32 $0x0, s21  }
.LBB2_5:
0x4a: {  	[hbm4b:s24+s5] =	stream.linear.scatter [tilespmem:s22], [sflag:$0x2], $0x80, $0x38;
	[tilespmem:$0x1E700] =	vst v63  }
0x4b: {  	s24 =	smov.u32 s20;
	s22 =	smov.u32 s23;
	p1 =	sne.s32 s20, $0xF80  }
.Ltmp1:
0x4c: {  	s20 =	sadd.s32 $0x80, s20;
	(pc) =	sbr.rel @p1 .LBB2_5-.Ltmp1, $2  }
0x4d: {  	_ =	sdelay $0x2  }
0x4e: {  	s23 =	sadd.s32 $0x100, s23;
	s24 =	sadd.s32 s24, s21  }
0x4f: {  	[hbm4b:s24+s5] =	stream.linear.scatter [tilespmem:s22], [sflag:$0x2], $0x80, $0x38;
	[tilespmem:$0x1E700] =	vst v63  }
0x50: {  	s20 =	simm.s32 @!p0 $0x3  }
0x51: {  	_ =	swait.ge @!p0 [sflag:s20], $0x1000  }
0x52: {  	[sflag:s20] =	ssyncset.done @!p0 $0x0  }
0x53: {  	s31 =	simm.s32 $0x19770;
	[sflag:s20] =	ssyncadd.s32 @!p0 $0xFFFFF000  }
0x54: {  	v0 =	vld [tilespmem:s31+$0x0]  }
0x55: {  	v1 =	vld [tilespmem:s31+$0xFFFFFFA0]  }
0x56: {  	v2 =	vld [tilespmem:s31+$0xFFFFFFB0]  }
0x57: {  	v3 =	vld [tilespmem:s31+$0xFFFFFFC0]  }
0x58: {  	v6 =	vld [tilespmem:s31+$0xFFFFFFD0]  }
0x59: {  	v7 =	vld [tilespmem:s31+$0xFFFFFFE0]  }
0x5a: {  	v8 =	vld [tilespmem:s31+$0xFFFFFFF0]  }
0x5b: {  	v9 =	vld [tilespmem:s31+$0xFFFFFF90]  }
0x5c: {  	v10 =	vld.idx.msk [tilespmem:v0+s5+$0x0], $0xffff  }
0x5d: {  	v11 =	vld.idx.msk [tilespmem:v1+s5+$0x0], $0xffff  }
0x5e: {  	v5 =	vld.idx.msk [tilespmem:v2+s5+$0x0], $0xffff  }
0x5f: {  	v4 =	vld.idx.msk [tilespmem:v3+s5+$0x0], $0xffff  }
0x60: {  	v0 =	vld.idx.msk [tilespmem:v6+s5+$0x0], $0xffff  }
0x61: {  	s20 =	simm.s32 $0x1C7F0;
	v1 =	vld.idx.msk [tilespmem:v7+s5+$0x0], $0xffff  }
0x62: {  	v2 =	vld.idx.msk [tilespmem:v8+s5+$0x0], $0xffff;
	[tilespmem:s20+$0x0] =	vst v10  }
0x63: {  	s21 =	simm.s32 $0x0;
	s22 =	simm.s32 $0x197F0;
	v3 =	vld.idx.msk [tilespmem:v9+s5+$0x0], $0xffff;
	[tilespmem:s20+$0xFFFFFFA0] =	vst v11  }
.LBB2_7:
0x64: {  	v6 =	vld [tilespmem:s22+$0x0];
	s21 =	sadd.s32 $0x80, s21;
	[tilespmem:s20+$0xFFFFFFB0] =	vst v5  }
0x65: {  	v5 =	vld [tilespmem:s22+$0xFFFFFFA0];
	p0 =	slt.u32 s21, $0xF80;
	[tilespmem:s20+$0xFFFFFFC0] =	vst v4  }
0x66: {  	v4 =	vld [tilespmem:s22+$0xFFFFFFB0];
	[tilespmem:s20+$0xFFFFFFD0] =	vst v0  }
0x67: {  	v0 =	vld [tilespmem:s22+$0xFFFFFFC0];
	[tilespmem:s20+$0xFFFFFFE0] =	vst v1  }
0x68: {  	v1 =	vld [tilespmem:s22+$0xFFFFFFD0];
	[tilespmem:s20+$0xFFFFFFF0] =	vst v2  }
0x69: {  	v2 =	vld [tilespmem:s22+$0xFFFFFFE0];
	[tilespmem:s20+$0xFFFFFF90] =	vst v3  }
0x6a: {  	v3 =	vld [tilespmem:s22+$0xFFFFFFF0]  }
0x6b: {  	v7 =	vld [tilespmem:s22+$0xFFFFFF90]  }
0x6c: {  	v6 =	vld.idx.msk [tilespmem:v6+s5+$0x0], $0xffff  }
0x6d: {  	v8 =	vld.idx.msk [tilespmem:v5+s5+$0x0], $0xffff  }
0x6e: {  	v5 =	vld.idx.msk [tilespmem:v4+s5+$0x0], $0xffff  }
.Ltmp2:
0x6f: {  	v4 =	vld.idx.msk [tilespmem:v0+s5+$0x0], $0xffff;
	(pc) =	sbr.rel @p0 .LBB2_7-.Ltmp2, $4  }
0x70: {  	v0 =	vld.idx.msk [tilespmem:v1+s5+$0x0], $0xffff  }
0x71: {  	s20 =	sadd.s32 $0x100, s20;
	v1 =	vld.idx.msk [tilespmem:v2+s5+$0x0], $0xffff  }
0x72: {  	v2 =	vld.idx.msk [tilespmem:v3+s5+$0x0], $0xffff;
	[tilespmem:s20+$0x0] =	vst v6  }
0x73: {  	s22 =	sadd.s32 $0x80, s22;
	v3 =	vld.idx.msk [tilespmem:v7+s5+$0x0], $0xffff;
	[tilespmem:s20+$0xFFFFFFA0] =	vst v8  }
0x74: {  	[tilespmem:s20+$0xFFFFFFB0] =	vst v5  }
0x75: {  	[tilespmem:s20+$0xFFFFFFC0] =	vst v4  }
0x76: {  	[tilespmem:s20+$0xFFFFFFD0] =	vst v0  }
0x77: {  	[tilespmem:s20+$0xFFFFFFE0] =	vst v1  }
0x78: {  	s21 =	sadd.s32 s19, s7;
	s22 =	simm.s32 $0x1C780;
	[tilespmem:s20+$0xFFFFFFF0] =	vst v2  }
0x79: {  	s23 =	simm.s32 $0x1C880;
	s24 =	sadd.s32 $0x0, s21;
	[tilespmem:s20+$0xFFFFFF90] =	vst v3;
	s20 =	simm.s32 $0x80  }
.LBB2_9:
0x7a: {  	[hbm4b:s24+s5] =	stream.linear.scatter [tilespmem:s22], [sflag:$0x3], $0x80, $0x38;
	[tilespmem:$0x1E700] =	vst v63  }
0x7b: {  	s24 =	smov.u32 s20;
	s22 =	smov.u32 s23;
	p0 =	sne.s32 s20, $0xF80  }
.Ltmp3:
0x7c: {  	s20 =	sadd.s32 $0x80, s20;
	(pc) =	sbr.rel @p0 .LBB2_9-.Ltmp3, $2  }
0x7d: {  	_ =	sdelay $0x2  }
0x7e: {  	s23 =	sadd.s32 $0x100, s23;
	s24 =	sadd.s32 s24, s21  }
0x7f: {  	[hbm4b:s24+s5] =	stream.linear.scatter [tilespmem:s22], [sflag:$0x3], $0x80, $0x38;
	[tilespmem:$0x1E700] =	vst v63  }
0x80: {  	_ =	swait.ge [sflag:s14], $0x1000  }
0x81: {  	[sflag:s14] =	ssyncset.done $0x0  }
0x82: {  	s31 =	simm.s32 $0x1A770;
	[sflag:s14] =	ssyncadd.s32 $0xFFFFF000  }
0x83: {  	v0 =	vld [tilespmem:s31+$0x0]  }
0x84: {  	v1 =	vld [tilespmem:s31+$0xFFFFFFA0]  }
0x85: {  	v2 =	vld [tilespmem:s31+$0xFFFFFFB0]  }
0x86: {  	v3 =	vld [tilespmem:s31+$0xFFFFFFC0]  }
0x87: {  	v4 =	vld [tilespmem:s31+$0xFFFFFFD0]  }
0x88: {  	v6 =	vld [tilespmem:s31+$0xFFFFFFE0]  }
0x89: {  	v7 =	vld [tilespmem:s31+$0xFFFFFFF0]  }
0x8a: {  	v8 =	vld [tilespmem:s31+$0xFFFFFF90]  }
0x8b: {  	v9 =	vld.idx.msk [tilespmem:v0+s5+$0x0], $0xffff  }
0x8c: {  	v10 =	vld.idx.msk [tilespmem:v1+s5+$0x0], $0xffff  }
0x8d: {  	v5 =	vld.idx.msk [tilespmem:v2+s5+$0x0], $0xffff  }
0x8e: {  	v3 =	vld.idx.msk [tilespmem:v3+s5+$0x0], $0xffff  }
0x8f: {  	v2 =	vld.idx.msk [tilespmem:v4+s5+$0x0], $0xffff  }
0x90: {  	s21 =	simm.s32 $0x1C740;
	v0 =	vld.idx.msk [tilespmem:v6+s5+$0x0], $0xffff  }
0x91: {  	v1 =	vld.idx.msk [tilespmem:v7+s5+$0x0], $0xffff;
	[tilespmem:s21+$0x30] =	vst v9  }
0x92: {  	s20 =	sadd.s32 s19, s8;
	s22 =	simm.s32 $0x0;
	s23 =	simm.s32 $0x1A7F0;
	v4 =	vld.idx.msk [tilespmem:v8+s5+$0x0], $0xffff;
	[tilespmem:s21+$0xFFFFFFD0] =	vst v10  }
.LBB2_11:
0x93: {  	v6 =	vld [tilespmem:s23+$0x0];
	s22 =	sadd.s32 $0x80, s22;
	[tilespmem:s21+$0xFFFFFFE0] =	vst v5  }
0x94: {  	v5 =	vld [tilespmem:s23+$0xFFFFFFA0];
	p0 =	slt.u32 s22, $0xF80;
	[tilespmem:s21+$0xFFFFFFF0] =	vst v3  }
0x95: {  	v3 =	vld [tilespmem:s23+$0xFFFFFFB0];
	[tilespmem:s21+$0x0] =	vst v2  }
0x96: {  	v2 =	vld [tilespmem:s23+$0xFFFFFFC0];
	[tilespmem:s21+$0x10] =	vst v0  }
0x97: {  	v0 =	vld [tilespmem:s23+$0xFFFFFFD0];
	[tilespmem:s21+$0x20] =	vst v1  }
0x98: {  	v1 =	vld [tilespmem:s23+$0xFFFFFFE0];
	[tilespmem:s21+$0xFFFFFFC0] =	vst v4  }
0x99: {  	v4 =	vld [tilespmem:s23+$0xFFFFFFF0]  }
0x9a: {  	v7 =	vld [tilespmem:s23+$0xFFFFFF90]  }
0x9b: {  	v6 =	vld.idx.msk [tilespmem:v6+s5+$0x0], $0xffff  }
0x9c: {  	v8 =	vld.idx.msk [tilespmem:v5+s5+$0x0], $0xffff  }
0x9d: {  	v5 =	vld.idx.msk [tilespmem:v3+s5+$0x0], $0xffff  }
.Ltmp4:
0x9e: {  	v3 =	vld.idx.msk [tilespmem:v2+s5+$0x0], $0xffff;
	(pc) =	sbr.rel @p0 .LBB2_11-.Ltmp4, $4  }
0x9f: {  	v2 =	vld.idx.msk [tilespmem:v0+s5+$0x0], $0xffff  }
0xa0: {  	s21 =	sadd.s32 $0x100, s21;
	v0 =	vld.idx.msk [tilespmem:v1+s5+$0x0], $0xffff  }
0xa1: {  	v1 =	vld.idx.msk [tilespmem:v4+s5+$0x0], $0xffff;
	[tilespmem:s21+$0x30] =	vst v6  }
0xa2: {  	s23 =	sadd.s32 $0x80, s23;
	v4 =	vld.idx.msk [tilespmem:v7+s5+$0x0], $0xffff;
	[tilespmem:s21+$0xFFFFFFD0] =	vst v8  }
0xa3: {  	[tilespmem:s21+$0xFFFFFFE0] =	vst v5  }
0xa4: {  	[tilespmem:s21+$0xFFFFFFF0] =	vst v3  }
0xa5: {  	[tilespmem:s21+$0x0] =	vst v2  }
0xa6: {  	[tilespmem:s21+$0x10] =	vst v0  }
0xa7: {  	s22 =	simm.s32 $0x80;
	[tilespmem:s21+$0x20] =	vst v1  }
0xa8: {  	s24 =	sadd.s32 $0x0, s20;
	s23 =	simm.s32 $0x1C800;
	[tilespmem:s21+$0xFFFFFFC0] =	vst v4;
	s21 =	simm.s32 $0x1C700  }
.LBB2_13:
0xa9: {  	[hbm4b:s24+s5] =	stream.linear.scatter [tilespmem:s21], [sflag:$0x2], $0x80, $0x38;
	[tilespmem:$0x1E700] =	vst v63  }
0xaa: {  	s24 =	smov.u32 s22;
	s21 =	smov.u32 s23;
	p0 =	sne.s32 s22, $0xF80  }
.Ltmp5:
0xab: {  	s22 =	sadd.s32 $0x80, s22;
	(pc) =	sbr.rel @p0 .LBB2_13-.Ltmp5, $2  }
0xac: {  	_ =	sdelay $0x2  }
0xad: {  	s23 =	sadd.s32 $0x100, s23;
	s24 =	sadd.s32 s24, s20  }
0xae: {  	[hbm4b:s24+s5] =	stream.linear.scatter [tilespmem:s21], [sflag:$0x2], $0x80, $0x38;
	[tilespmem:$0x1E700] =	vst v63  }
0xaf: {  	_ =	swait.ge [sflag:s15], $0x1000  }
0xb0: {  	[sflag:s15] =	ssyncset.done $0x0  }
0xb1: {  	s31 =	simm.s32 $0x1B770;
	[sflag:s15] =	ssyncadd.s32 $0xFFFFF000  }
0xb2: {  	v0 =	vld [tilespmem:s31+$0x0]  }
0xb3: {  	v1 =	vld [tilespmem:s31+$0xFFFFFFA0]  }
0xb4: {  	v2 =	vld [tilespmem:s31+$0xFFFFFFB0]  }
0xb5: {  	v3 =	vld [tilespmem:s31+$0xFFFFFFC0]  }
0xb6: {  	v4 =	vld [tilespmem:s31+$0xFFFFFFD0]  }
0xb7: {  	v6 =	vld [tilespmem:s31+$0xFFFFFFE0]  }
0xb8: {  	v7 =	vld [tilespmem:s31+$0xFFFFFFF0]  }
0xb9: {  	v8 =	vld [tilespmem:s31+$0xFFFFFF90]  }
0xba: {  	v9 =	vld.idx.msk [tilespmem:v0+s5+$0x0], $0xffff  }
0xbb: {  	v10 =	vld.idx.msk [tilespmem:v1+s5+$0x0], $0xffff  }
0xbc: {  	v5 =	vld.idx.msk [tilespmem:v2+s5+$0x0], $0xffff  }
0xbd: {  	v3 =	vld.idx.msk [tilespmem:v3+s5+$0x0], $0xffff  }
0xbe: {  	v2 =	vld.idx.msk [tilespmem:v4+s5+$0x0], $0xffff  }
0xbf: {  	s20 =	simm.s32 $0x1C7F0;
	v0 =	vld.idx.msk [tilespmem:v6+s5+$0x0], $0xffff  }
0xc0: {  	v1 =	vld.idx.msk [tilespmem:v7+s5+$0x0], $0xffff;
	[tilespmem:s20+$0x0] =	vst v9  }
0xc1: {  	s19 =	sadd.s32 s19, s9;
	s21 =	simm.s32 $0x0;
	s22 =	simm.s32 $0x1B7F0;
	v4 =	vld.idx.msk [tilespmem:v8+s5+$0x0], $0xffff;
	[tilespmem:s20+$0xFFFFFFA0] =	vst v10  }
.LBB2_15:
0xc2: {  	v6 =	vld [tilespmem:s22+$0x0];
	s21 =	sadd.s32 $0x80, s21;
	[tilespmem:s20+$0xFFFFFFB0] =	vst v5  }
0xc3: {  	v5 =	vld [tilespmem:s22+$0xFFFFFFA0];
	p0 =	slt.u32 s21, $0xF80;
	[tilespmem:s20+$0xFFFFFFC0] =	vst v3  }
0xc4: {  	v3 =	vld [tilespmem:s22+$0xFFFFFFB0];
	[tilespmem:s20+$0xFFFFFFD0] =	vst v2  }
0xc5: {  	v2 =	vld [tilespmem:s22+$0xFFFFFFC0];
	[tilespmem:s20+$0xFFFFFFE0] =	vst v0  }
0xc6: {  	v0 =	vld [tilespmem:s22+$0xFFFFFFD0];
	[tilespmem:s20+$0xFFFFFFF0] =	vst v1  }
0xc7: {  	v1 =	vld [tilespmem:s22+$0xFFFFFFE0];
	[tilespmem:s20+$0xFFFFFF90] =	vst v4  }
0xc8: {  	v4 =	vld [tilespmem:s22+$0xFFFFFFF0]  }
0xc9: {  	v7 =	vld [tilespmem:s22+$0xFFFFFF90]  }
0xca: {  	v6 =	vld.idx.msk [tilespmem:v6+s5+$0x0], $0xffff  }
0xcb: {  	v8 =	vld.idx.msk [tilespmem:v5+s5+$0x0], $0xffff  }
0xcc: {  	v5 =	vld.idx.msk [tilespmem:v3+s5+$0x0], $0xffff  }
.Ltmp6:
0xcd: {  	v3 =	vld.idx.msk [tilespmem:v2+s5+$0x0], $0xffff;
	(pc) =	sbr.rel @p0 .LBB2_15-.Ltmp6, $4  }
0xce: {  	v2 =	vld.idx.msk [tilespmem:v0+s5+$0x0], $0xffff  }
0xcf: {  	s20 =	sadd.s32 $0x100, s20;
	v0 =	vld.idx.msk [tilespmem:v1+s5+$0x0], $0xffff  }
0xd0: {  	v1 =	vld.idx.msk [tilespmem:v4+s5+$0x0], $0xffff;
	[tilespmem:s20+$0x0] =	vst v6  }
0xd1: {  	s22 =	sadd.s32 $0x80, s22;
	v4 =	vld.idx.msk [tilespmem:v7+s5+$0x0], $0xffff;
	[tilespmem:s20+$0xFFFFFFA0] =	vst v8  }
0xd2: {  	[tilespmem:s20+$0xFFFFFFB0] =	vst v5  }
0xd3: {  	[tilespmem:s20+$0xFFFFFFC0] =	vst v3  }
0xd4: {  	[tilespmem:s20+$0xFFFFFFD0] =	vst v2  }
0xd5: {  	[tilespmem:s20+$0xFFFFFFE0] =	vst v0  }
0xd6: {  	s21 =	simm.s32 $0x80;
	[tilespmem:s20+$0xFFFFFFF0] =	vst v1  }
0xd7: {  	s23 =	sadd.s32 $0x0, s19;
	s22 =	simm.s32 $0x1C880;
	[tilespmem:s20+$0xFFFFFF90] =	vst v4;
	s20 =	simm.s32 $0x1C780  }
.LBB2_17:
0xd8: {  	[hbm4b:s23+s5] =	stream.linear.scatter [tilespmem:s20], [sflag:$0x3], $0x80, $0x38;
	[tilespmem:$0x1E700] =	vst v63  }
0xd9: {  	s23 =	smov.u32 s21;
	s20 =	smov.u32 s22;
	p0 =	sne.s32 s21, $0xF80  }
.Ltmp7:
0xda: {  	s21 =	sadd.s32 $0x80, s21;
	(pc) =	sbr.rel @p0 .LBB2_17-.Ltmp7, $2  }
0xdb: {  	_ =	sdelay $0x2  }
0xdc: {  	s22 =	sadd.s32 $0x100, s22;
	s23 =	sadd.s32 s23, s19  }
0xdd: {  	s17 =	sadd.s32 $0x1, s17  }
0xde: {  	p0 =	sne.s32 s17, $0xD  }
.Ltmp8:
0xdf: {  	_ = 	snop;
	(pc) =	sbr.rel @p0 .LBB2_2-.Ltmp8, $2  }
0xe0: {  	_ =	sdelay $0x2  }
0xe1: {  	[hbm4b:s23+s5] =	stream.linear.scatter [tilespmem:s20], [sflag:$0x3], $0x80, $0x38;
	[tilespmem:$0x1E700] =	vst v63  }
0xe2: {  	s16 =	sadd.s32 $0x1, s16  }
0xe3: {  	_ =	swait.ge [sflag:s14], $0x1000;
	p0 =	sne.s32 s16, s10  }
.Ltmp9:
0xe4: {  	[sflag:s14] =	ssyncset.done $0x0;
	(pc) =	sbr.rel @p0 .LBB2_1-.Ltmp9, $4  }
0xe5: {  	[sflag:s14] =	ssyncadd.s32 $0xFFFFF000  }
0xe6: {  	_ =	swait.ge [sflag:s15], $0x1000  }
0xe7: {  	[sflag:s15] =	ssyncset.done $0x0  }
0xe8: {  	[sflag:s15] =	ssyncadd.s32 $0xFFFFF000  }
0xe9: {  	_ =	sfence.sel $0x180000  }
0xea: {  	[bflag:$0x0] =	sbarrier.arrive $0xFFFF  }
0xeb: {  	p0 =	sne.s32 s3, $0x0;
	_ =	strace $0x90000047  }
0xec: {  	s0 =	sadd.s32 @!p0 $0x100000, s0;
	[bflag:$0x2] =	sbarrier.arrive $0xFFFF  }
0xed: {  	[sflag:s0] =	ssyncadd.tile.s32 @!p0 $0x1;
	_ =	shalt  }
.Lfunc_end2:
_tile_overlayer_lowered:
.L_overlay_start_2:
0xee: {  	(tag) =	ssettag $0x2  }
0xef: {  	s0 =	rddreg [dreg:$0x0];
	s2 =	stileid.u32  }
0xf0: {  	s1 =	rddreg [dreg:$0x1];
	p0 =	sne.s32 s2, $0x0  }
0xf1: {  	s3 =	rddreg [dreg:$0x2];
	[bflag:$0x3] =	sbarrier.arrive $0xFFFF;
	s2 =	simm.s32 @!p0 $0x1C04  }
0xf2: {  	[timem:s3], [sflag:s2] =	dma.local @!p0 [hbm:s0], s1  }
0xf3: {  	s0 =	simm.s32 @!p0 $0x4  }
0xf4: {  	_ =	swait.ge @!p0 [sflag:s0], s1  }
0xf5: {  	s1 =	ssub.s32 @!p0 $0x0, s1;
	[sflag:s0] =	ssyncset.done @!p0 $0x0  }
0xf6: {  	[sflag:s0] =	ssyncadd.s32 @!p0 s1  }
0xf7: {  	[bflag:$0x3] =	sbarrier.arrive $0xFFFF  }
0xf8: {  	_ =	shalt  }

</sc_bundles>
